<compile_context>
chip_gen: v7x
topology: tpu7x:2x2x1
jax: 0.10.2.dev20260603
libtpu: 0.0.44.dev20260713+nightly
codegen_flags: <defaults>
</compile_context>

<pallas_src>
import functools

import jax
import jax.numpy as jnp
from jax import lax
from jax.experimental import pallas as pl
from jax.experimental.pallas import tpu as pltpu
from jax.experimental.pallas import tpu_sc as plsc

EMBED_DIM = 128
NUM_T = 4096 * 50
NC, NS = 2, 16
NW = NC * NS
B_PER_W = NUM_T // NW
CHUNK = 128
NCHUNK = B_PER_W // CHUNK


NBUF = 2
NITER = NCHUNK // NBUF


TABLE_ROWS = 8192
STAGE_ROWS = TABLE_ROWS // NS


def _gather_body(idx_hbm, enc_hbm, out_hbm, idx_v, enc_sp, bufs, sems):
    cid = lax.axis_index("c")
    sid = lax.axis_index("s")
    wid = sid * NC + cid
    base = wid * B_PER_W

    pltpu.sync_copy(
        enc_hbm.at[pl.ds(sid * STAGE_ROWS, STAGE_ROWS)],
        enc_sp.at[pl.ds(sid * STAGE_ROWS, STAGE_ROWS)],
    )
    pltpu.sync_copy(idx_hbm.at[wid], idx_v)
    plsc.subcore_barrier()

    for b in range(NBUF):
        pltpu.async_copy(enc_sp.at[idx_v.at[b]], bufs[b], sems[b])

    def step(i, carry):
        for b in range(NBUF):
            j = i * NBUF + b
            pltpu.make_async_copy(enc_sp.at[idx_v.at[j]], bufs[b], sems[b]).wait()
            pltpu.sync_copy(bufs[b], out_hbm.at[pl.ds(base + j * CHUNK, CHUNK)])

            @pl.when(i < NITER - 1)
            def _():
                pltpu.async_copy(enc_sp.at[idx_v.at[j + NBUF]], bufs[b], sems[b])

        return carry

    lax.fori_loop(0, NITER, step, 0)


_gather = pl.kernel(
    _gather_body,
    out_type=jax.ShapeDtypeStruct((NUM_T, EMBED_DIM), jnp.float32),
    mesh=plsc.VectorSubcoreMesh(core_axis_name="c", subcore_axis_name="s"),
    scratch_types=[
        pltpu.VMEM((NCHUNK, CHUNK), jnp.int32),
        pltpu.VMEM_SHARED((TABLE_ROWS, EMBED_DIM), jnp.float32),
        [pltpu.VMEM((CHUNK, EMBED_DIM), jnp.float32) for _ in range(NBUF)],
        [pltpu.SemaphoreType.DMA for _ in range(NBUF)],
    ],
)


@jax.jit
def kernel(t, enc):
    b, s = t.shape
    idx = t.T.astype(jnp.int32).reshape(NW, NCHUNK, CHUNK)
    out = _gather(idx, enc)
    return out.reshape(s, b, EMBED_DIM).transpose(1, 0, 2)

# --- scband reference (transcript-rebuilt; emitter-appended) ---
"""Pipeline reference for scband-transformer-sinusoidal-encoding-88673894793356 (READ-ONLY COPY).

The authoritative reference and input builder live on the scoring server;
editing this copy changes nothing except your own understanding.
"""

import jax, jax.numpy as jnp
import numpy as np

EMBED_DIM = 128
MAX_LEN = 8192


def _build_enc(embed_dim=EMBED_DIM, max_len=MAX_LEN):
    pos = jnp.arange(max_len, dtype=jnp.float32)
    i = jnp.arange(embed_dim, dtype=jnp.float32)
    even_mask = (jnp.arange(embed_dim) % 2 == 0).astype(jnp.float32)
    odd_mask = (jnp.arange(embed_dim) % 2 != 0).astype(jnp.float32)
    sin_s = jnp.sin(pos[:, None] / (10000.0 ** (i / embed_dim))) * even_mask
    cos_s = jnp.cos(pos[:, None] / (10000.0 ** ((i - 1.0) / embed_dim))) * odd_mask
    return sin_s + cos_s


def setup_inputs(seed: int = 0) -> dict:
    key = jax.random.key(seed)
    k_t, _ = jax.random.split(key)
    t = jax.random.randint(k_t, (4096, 50), 0, MAX_LEN, dtype=jnp.int64 if jax.config.jax_enable_x64 else jnp.int32)
    enc = _build_enc()
    return {"t": t, "enc": enc}


def reference(t, enc):
    # Faithful translation of: return self.enc[t, :]
    return jnp.take(enc, t, axis=0)

if __name__ == "__main__":
    import jax
    _d = setup_inputs()
    print(jax.jit(kernel)(*tuple(_d.values())))

</pallas_src>

<mosaic_0001>
#map = affine_map<(d0, d1) -> (0, 0, 0)>
#map1 = affine_map<(d0, d1) -> (0, 0)>
module attributes {stable_mosaic.version = 14 : i64} {
  func.func @_gather_body(%arg0: i32, %arg1: i32, %arg2: memref<32x50x128xi32, #tpu.memory_space<hbm>>, %arg3: memref<8192x128xf32, #tpu.memory_space<hbm>>, %arg4: memref<204800x128xf32, #tpu.memory_space<hbm>>, %arg5: memref<50x128xi32, #tpu.memory_space<vmem>>, %arg6: memref<8192x128xf32, #tpu.memory_space<vmem_shared>>, %arg7: memref<128x128xf32, #tpu.memory_space<vmem>>, %arg8: memref<128x128xf32, #tpu.memory_space<vmem>>, %arg9: memref<!tpu.dma_semaphore, #tpu.memory_space<semaphore_mem>>, %arg10: memref<!tpu.dma_semaphore, #tpu.memory_space<semaphore_mem>>) attributes {dimension_semantics = [#tpu.dimension_semantics<core_parallel>, #tpu.dimension_semantics<subcore_parallel>], iteration_bounds = array<i64: 2, 16>, scalar_prefetch = 0 : i64, scratch_operands = 6 : i64, tpu.core_type = #tpu.core_type<sc_vector_subcore>, window_params = [{transform_indices = #map}, {transform_indices = #map1}, {transform_indices = #map1}]} {
    %mul3A = arith.constant 2 : i32
    %mul3A_0 = arith.muli %arg1, %mul3A : i32
    %add3A = arith.addi %mul3A_0, %arg0 : i32
    %mul3A_1 = arith.constant 6400 : i32
    %mul3A_2 = arith.muli %add3A, %mul3A_1 : i32
    %mul3A_3 = arith.constant 512 : i32
    %mul3A_4 = arith.muli %arg1, %mul3A_3 : i32
    %mul3A_5 = arith.constant 512 : i32
    %mul3A_6 = arith.muli %arg1, %mul3A_5 : i32
    "tpu.region"() ({
      %run_scoped3A = tpu.sem_alloc : memref<!tpu.dma_semaphore, #tpu.memory_space<semaphore_mem>>
      %dma_start3A_25 = arith.constant 0 : i32
      %dma_start3A_26 = tpu.memref_slice %arg6[%mul3A_6, %dma_start3A_25] : memref<8192x128xf32, #tpu.memory_space<vmem_shared>> -> memref<512x128xf32, #tpu.memory_space<vmem_shared>>
      %dma_start3A_27 = arith.constant 0 : i32
      %dma_start3A_28 = tpu.memref_slice %arg3[%mul3A_4, %dma_start3A_27] : memref<8192x128xf32, #tpu.memory_space<hbm>> -> memref<512x128xf32, #tpu.memory_space<hbm>>
      tpu.enqueue_dma source(%dma_start3A_28 : memref<512x128xf32, #tpu.memory_space<hbm>>) target(%dma_start3A_26 : memref<512x128xf32, #tpu.memory_space<vmem_shared>>) target_semaphore(%run_scoped3A : memref<!tpu.dma_semaphore, #tpu.memory_space<semaphore_mem>>)
      %dma_wait3A = arith.constant 0 : i32
      %dma_wait3A_29 = tpu.memref_slice %arg6[%mul3A_6, %dma_wait3A] : memref<8192x128xf32, #tpu.memory_space<vmem_shared>> -> memref<512x128xf32, #tpu.memory_space<vmem_shared>>
      %dma_wait3A_30 = arith.constant 0 : i32
      %dma_wait3A_31 = tpu.memref_slice %arg3[%mul3A_4, %dma_wait3A_30] : memref<8192x128xf32, #tpu.memory_space<hbm>> -> memref<512x128xf32, #tpu.memory_space<hbm>>
      tpu.wait_dma2 semaphore(%run_scoped3A : memref<!tpu.dma_semaphore, #tpu.memory_space<semaphore_mem>>) src(%dma_wait3A_31 : memref<512x128xf32, #tpu.memory_space<hbm>>) dst(%dma_wait3A_29 : memref<512x128xf32, #tpu.memory_space<vmem_shared>>)
      tpu.yield
    }) : () -> ()
    "tpu.region"() ({
      %run_scoped3A = tpu.sem_alloc : memref<!tpu.dma_semaphore, #tpu.memory_space<semaphore_mem>>
      %dma_start3A_25 = arith.constant 0 : i32
      %dma_start3A_26 = arith.constant 0 : i32
      %dma_start3A_27 = tpu.memref_slice %arg2[%add3A, %dma_start3A_25, %dma_start3A_26] : memref<32x50x128xi32, #tpu.memory_space<hbm>> -> memref<1x50x128xi32, #tpu.memory_space<hbm>>
      %dma_start3A_28 = tpu.memref_squeeze %dma_start3A_27 : memref<1x50x128xi32, #tpu.memory_space<hbm>> -> memref<50x128xi32, #tpu.memory_space<hbm>>
      %dma_start3A_29 = arith.constant 0 : i32
      %dma_start3A_30 = arith.constant 0 : i32
      %dma_start3A_31 = tpu.memref_slice %arg2[%add3A, %dma_start3A_29, %dma_start3A_30] : memref<32x50x128xi32, #tpu.memory_space<hbm>> -> memref<1x50x128xi32, #tpu.memory_space<hbm>>
      %dma_start3A_32 = tpu.memref_squeeze %dma_start3A_31 : memref<1x50x128xi32, #tpu.memory_space<hbm>> -> memref<50x128xi32, #tpu.memory_space<hbm>>
      tpu.enqueue_dma source(%dma_start3A_32 : memref<50x128xi32, #tpu.memory_space<hbm>>) target(%arg5 : memref<50x128xi32, #tpu.memory_space<vmem>>) target_semaphore(%run_scoped3A : memref<!tpu.dma_semaphore, #tpu.memory_space<semaphore_mem>>)
      %dma_wait3A = arith.constant 0 : i32
      %dma_wait3A_33 = arith.constant 0 : i32
      %dma_wait3A_34 = tpu.memref_slice %arg2[%add3A, %dma_wait3A, %dma_wait3A_33] : memref<32x50x128xi32, #tpu.memory_space<hbm>> -> memref<1x50x128xi32, #tpu.memory_space<hbm>>
      %dma_wait3A_35 = tpu.memref_squeeze %dma_wait3A_34 : memref<1x50x128xi32, #tpu.memory_space<hbm>> -> memref<50x128xi32, #tpu.memory_space<hbm>>
      %dma_wait3A_36 = arith.constant 0 : i32
      %dma_wait3A_37 = arith.constant 0 : i32
      %dma_wait3A_38 = tpu.memref_slice %arg2[%add3A, %dma_wait3A_36, %dma_wait3A_37] : memref<32x50x128xi32, #tpu.memory_space<hbm>> -> memref<1x50x128xi32, #tpu.memory_space<hbm>>
      %dma_wait3A_39 = tpu.memref_squeeze %dma_wait3A_38 : memref<1x50x128xi32, #tpu.memory_space<hbm>> -> memref<50x128xi32, #tpu.memory_space<hbm>>
      tpu.wait_dma2 semaphore(%run_scoped3A : memref<!tpu.dma_semaphore, #tpu.memory_space<semaphore_mem>>) src(%dma_wait3A_39 : memref<50x128xi32, #tpu.memory_space<hbm>>) dst(%arg5 : memref<50x128xi32, #tpu.memory_space<vmem>>)
      tpu.yield
    }) : () -> ()
    %barrier3A = arith.constant 0 : index
    tpu.barrier barrier_id(%barrier3A)
    %dma_start3A = arith.constant 0 : i32
    %dma_start3A_7 = arith.constant 0 : i32
    %dma_start3A_8 = tpu.memref_slice %arg5[%dma_start3A, %dma_start3A_7] : memref<50x128xi32, #tpu.memory_space<vmem>> -> memref<1x128xi32, #tpu.memory_space<vmem>>
    %dma_start3A_9 = tpu.memref_squeeze %dma_start3A_8 : memref<1x128xi32, #tpu.memory_space<vmem>> -> memref<128xi32, #tpu.memory_space<vmem>>
    %dma_start3A_10 = arith.constant 0 : i32
    %dma_start3A_11 = arith.constant 0 : i32
    %dma_start3A_12 = tpu.memref_slice %arg6[%dma_start3A_10, %dma_start3A_11] : memref<8192x128xf32, #tpu.memory_space<vmem_shared>> -> memref<8192x128xf32, #tpu.memory_space<vmem_shared>>
    tpu.enqueue_indirect_dma source(%dma_start3A_12 : memref<8192x128xf32, #tpu.memory_space<vmem_shared>>) target(%arg7 : memref<128x128xf32, #tpu.memory_space<vmem>>) offsets(%dma_start3A_9 : memref<128xi32, #tpu.memory_space<vmem>>) semaphore(%arg9 : memref<!tpu.dma_semaphore, #tpu.memory_space<semaphore_mem>>)
    %dma_start3A_13 = arith.constant 1 : i32
    %dma_start3A_14 = arith.constant 0 : i32
    %dma_start3A_15 = tpu.memref_slice %arg5[%dma_start3A_13, %dma_start3A_14] : memref<50x128xi32, #tpu.memory_space<vmem>> -> memref<1x128xi32, #tpu.memory_space<vmem>>
    %dma_start3A_16 = tpu.memref_squeeze %dma_start3A_15 : memref<1x128xi32, #tpu.memory_space<vmem>> -> memref<128xi32, #tpu.memory_space<vmem>>
    %dma_start3A_17 = arith.constant 0 : i32
    %dma_start3A_18 = arith.constant 0 : i32
    %dma_start3A_19 = tpu.memref_slice %arg6[%dma_start3A_17, %dma_start3A_18] : memref<8192x128xf32, #tpu.memory_space<vmem_shared>> -> memref<8192x128xf32, #tpu.memory_space<vmem_shared>>
    tpu.enqueue_indirect_dma source(%dma_start3A_19 : memref<8192x128xf32, #tpu.memory_space<vmem_shared>>) target(%arg8 : memref<128x128xf32, #tpu.memory_space<vmem>>) offsets(%dma_start3A_16 : memref<128xi32, #tpu.memory_space<vmem>>) semaphore(%arg10 : memref<!tpu.dma_semaphore, #tpu.memory_space<semaphore_mem>>)
    %scan3A = arith.constant 0 : i32
    %scan3A_20 = arith.constant 0 : i32
    %scan3A_21 = arith.constant 25 : i32
    %scan3A_22 = arith.addi %scan3A_20, %scan3A_21 : i32
    %scan3A_23 = arith.constant 1 : i32
    scf.for %scan3A_25 = %scan3A_20 to %scan3A_22 step %scan3A_23  : i32 {
      %mul3A_26 = arith.constant 2 : i32
      %mul3A_27 = arith.muli %scan3A_25, %mul3A_26 : i32
      %add3A_28 = arith.constant 0 : i32
      %add3A_29 = arith.addi %mul3A_27, %add3A_28 : i32
      %dma_wait3A = arith.constant 0 : i32
      %dma_wait3A_30 = tpu.memref_slice %arg5[%add3A_29, %dma_wait3A] : memref<50x128xi32, #tpu.memory_space<vmem>> -> memref<1x128xi32, #tpu.memory_space<vmem>>
      %dma_wait3A_31 = tpu.memref_squeeze %dma_wait3A_30 : memref<1x128xi32, #tpu.memory_space<vmem>> -> memref<128xi32, #tpu.memory_space<vmem>>
      %dma_wait3A_32 = arith.constant 0 : i32
      %dma_wait3A_33 = arith.constant 0 : i32
      %dma_wait3A_34 = tpu.memref_slice %arg6[%dma_wait3A_32, %dma_wait3A_33] : memref<8192x128xf32, #tpu.memory_space<vmem_shared>> -> memref<8192x128xf32, #tpu.memory_space<vmem_shared>>
      tpu.wait_indirect_dma semaphore(%arg9 : memref<!tpu.dma_semaphore, #tpu.memory_space<semaphore_mem>>) src(%dma_wait3A_34 : memref<8192x128xf32, #tpu.memory_space<vmem_shared>>) dst(%arg7 : memref<128x128xf32, #tpu.memory_space<vmem>>)
      %mul3A_35 = arith.constant 128 : i32
      %mul3A_36 = arith.muli %add3A_29, %mul3A_35 : i32
      %add3A_37 = arith.addi %mul3A_2, %mul3A_36 : i32
      "tpu.region"() ({
        %run_scoped3A = tpu.sem_alloc : memref<!tpu.dma_semaphore, #tpu.memory_space<semaphore_mem>>
        %dma_start3A_58 = arith.constant 0 : i32
        %dma_start3A_59 = tpu.memref_slice %arg4[%add3A_37, %dma_start3A_58] : memref<204800x128xf32, #tpu.memory_space<hbm>> -> memref<128x128xf32, #tpu.memory_space<hbm>>
        %dma_start3A_60 = arith.constant 0 : i32
        %dma_start3A_61 = tpu.memref_slice %arg4[%add3A_37, %dma_start3A_60] : memref<204800x128xf32, #tpu.memory_space<hbm>> -> memref<128x128xf32, #tpu.memory_space<hbm>>
        tpu.enqueue_dma source(%arg7 : memref<128x128xf32, #tpu.memory_space<vmem>>) target(%dma_start3A_61 : memref<128x128xf32, #tpu.memory_space<hbm>>) target_semaphore(%run_scoped3A : memref<!tpu.dma_semaphore, #tpu.memory_space<semaphore_mem>>)
        %dma_wait3A_62 = arith.constant 0 : i32
        %dma_wait3A_63 = tpu.memref_slice %arg4[%add3A_37, %dma_wait3A_62] : memref<204800x128xf32, #tpu.memory_space<hbm>> -> memref<128x128xf32, #tpu.memory_space<hbm>>
        %dma_wait3A_64 = arith.constant 0 : i32
        %dma_wait3A_65 = tpu.memref_slice %arg4[%add3A_37, %dma_wait3A_64] : memref<204800x128xf32, #tpu.memory_space<hbm>> -> memref<128x128xf32, #tpu.memory_space<hbm>>
        tpu.wait_dma2 semaphore(%run_scoped3A : memref<!tpu.dma_semaphore, #tpu.memory_space<semaphore_mem>>) src(%arg7 : memref<128x128xf32, #tpu.memory_space<vmem>>) dst(%dma_wait3A_65 : memref<128x128xf32, #tpu.memory_space<hbm>>)
        tpu.yield
      }) : () -> ()
      %lt3A = arith.constant 24 : i32
      %lt3A_38 = arith.cmpi slt, %scan3A_25, %lt3A : i32
      %convert_element_type3A = arith.extui %lt3A_38 : i1 to i32
      %cond3A = arith.constant 0 : i32
      %cond3A_39 = arith.cmpi ne, %convert_element_type3A, %cond3A : i32
      scf.if %cond3A_39 {
        %add3A_58 = arith.constant 2 : i32
        %add3A_59 = arith.addi %add3A_29, %add3A_58 : i32
        %dma_start3A_60 = arith.constant 0 : i32
        %dma_start3A_61 = tpu.memref_slice %arg5[%add3A_59, %dma_start3A_60] : memref<50x128xi32, #tpu.memory_space<vmem>> -> memref<1x128xi32, #tpu.memory_space<vmem>>
        %dma_start3A_62 = tpu.memref_squeeze %dma_start3A_61 : memref<1x128xi32, #tpu.memory_space<vmem>> -> memref<128xi32, #tpu.memory_space<vmem>>
        %dma_start3A_63 = arith.constant 0 : i32
        %dma_start3A_64 = arith.constant 0 : i32
        %dma_start3A_65 = tpu.memref_slice %arg6[%dma_start3A_63, %dma_start3A_64] : memref<8192x128xf32, #tpu.memory_space<vmem_shared>> -> memref<8192x128xf32, #tpu.memory_space<vmem_shared>>
        tpu.enqueue_indirect_dma source(%dma_start3A_65 : memref<8192x128xf32, #tpu.memory_space<vmem_shared>>) target(%arg7 : memref<128x128xf32, #tpu.memory_space<vmem>>) offsets(%dma_start3A_62 : memref<128xi32, #tpu.memory_space<vmem>>) semaphore(%arg9 : memref<!tpu.dma_semaphore, #tpu.memory_space<semaphore_mem>>)
      } else {
      }
      %mul3A_40 = arith.constant 2 : i32
      %mul3A_41 = arith.muli %scan3A_25, %mul3A_40 : i32
      %add3A_42 = arith.constant 1 : i32
      %add3A_43 = arith.addi %mul3A_41, %add3A_42 : i32
      %dma_wait3A_44 = arith.constant 0 : i32
      %dma_wait3A_45 = tpu.memref_slice %arg5[%add3A_43, %dma_wait3A_44] : memref<50x128xi32, #tpu.memory_space<vmem>> -> memref<1x128xi32, #tpu.memory_space<vmem>>
      %dma_wait3A_46 = tpu.memref_squeeze %dma_wait3A_45 : memref<1x128xi32, #tpu.memory_space<vmem>> -> memref<128xi32, #tpu.memory_space<vmem>>
      %dma_wait3A_47 = arith.constant 0 : i32
      %dma_wait3A_48 = arith.constant 0 : i32
      %dma_wait3A_49 = tpu.memref_slice %arg6[%dma_wait3A_47, %dma_wait3A_48] : memref<8192x128xf32, #tpu.memory_space<vmem_shared>> -> memref<8192x128xf32, #tpu.memory_space<vmem_shared>>
      tpu.wait_indirect_dma semaphore(%arg10 : memref<!tpu.dma_semaphore, #tpu.memory_space<semaphore_mem>>) src(%dma_wait3A_49 : memref<8192x128xf32, #tpu.memory_space<vmem_shared>>) dst(%arg8 : memref<128x128xf32, #tpu.memory_space<vmem>>)
      %mul3A_50 = arith.constant 128 : i32
      %mul3A_51 = arith.muli %add3A_43, %mul3A_50 : i32
      %add3A_52 = arith.addi %mul3A_2, %mul3A_51 : i32
      "tpu.region"() ({
        %run_scoped3A = tpu.sem_alloc : memref<!tpu.dma_semaphore, #tpu.memory_space<semaphore_mem>>
        %dma_start3A_58 = arith.constant 0 : i32
        %dma_start3A_59 = tpu.memref_slice %arg4[%add3A_52, %dma_start3A_58] : memref<204800x128xf32, #tpu.memory_space<hbm>> -> memref<128x128xf32, #tpu.memory_space<hbm>>
        %dma_start3A_60 = arith.constant 0 : i32
        %dma_start3A_61 = tpu.memref_slice %arg4[%add3A_52, %dma_start3A_60] : memref<204800x128xf32, #tpu.memory_space<hbm>> -> memref<128x128xf32, #tpu.memory_space<hbm>>
        tpu.enqueue_dma source(%arg8 : memref<128x128xf32, #tpu.memory_space<vmem>>) target(%dma_start3A_61 : memref<128x128xf32, #tpu.memory_space<hbm>>) target_semaphore(%run_scoped3A : memref<!tpu.dma_semaphore, #tpu.memory_space<semaphore_mem>>)
        %dma_wait3A_62 = arith.constant 0 : i32
        %dma_wait3A_63 = tpu.memref_slice %arg4[%add3A_52, %dma_wait3A_62] : memref<204800x128xf32, #tpu.memory_space<hbm>> -> memref<128x128xf32, #tpu.memory_space<hbm>>
        %dma_wait3A_64 = arith.constant 0 : i32
        %dma_wait3A_65 = tpu.memref_slice %arg4[%add3A_52, %dma_wait3A_64] : memref<204800x128xf32, #tpu.memory_space<hbm>> -> memref<128x128xf32, #tpu.memory_space<hbm>>
        tpu.wait_dma2 semaphore(%run_scoped3A : memref<!tpu.dma_semaphore, #tpu.memory_space<semaphore_mem>>) src(%arg8 : memref<128x128xf32, #tpu.memory_space<vmem>>) dst(%dma_wait3A_65 : memref<128x128xf32, #tpu.memory_space<hbm>>)
        tpu.yield
      }) : () -> ()
      %lt3A_53 = arith.constant 24 : i32
      %lt3A_54 = arith.cmpi slt, %scan3A_25, %lt3A_53 : i32
      %convert_element_type3A_55 = arith.extui %lt3A_54 : i1 to i32
      %cond3A_56 = arith.constant 0 : i32
      %cond3A_57 = arith.cmpi ne, %convert_element_type3A_55, %cond3A_56 : i32
      scf.if %cond3A_57 {
        %add3A_58 = arith.constant 2 : i32
        %add3A_59 = arith.addi %add3A_43, %add3A_58 : i32
        %dma_start3A_60 = arith.constant 0 : i32
        %dma_start3A_61 = tpu.memref_slice %arg5[%add3A_59, %dma_start3A_60] : memref<50x128xi32, #tpu.memory_space<vmem>> -> memref<1x128xi32, #tpu.memory_space<vmem>>
        %dma_start3A_62 = tpu.memref_squeeze %dma_start3A_61 : memref<1x128xi32, #tpu.memory_space<vmem>> -> memref<128xi32, #tpu.memory_space<vmem>>
        %dma_start3A_63 = arith.constant 0 : i32
        %dma_start3A_64 = arith.constant 0 : i32
        %dma_start3A_65 = tpu.memref_slice %arg6[%dma_start3A_63, %dma_start3A_64] : memref<8192x128xf32, #tpu.memory_space<vmem_shared>> -> memref<8192x128xf32, #tpu.memory_space<vmem_shared>>
        tpu.enqueue_indirect_dma source(%dma_start3A_65 : memref<8192x128xf32, #tpu.memory_space<vmem_shared>>) target(%arg8 : memref<128x128xf32, #tpu.memory_space<vmem>>) offsets(%dma_start3A_62 : memref<128xi32, #tpu.memory_space<vmem>>) semaphore(%arg10 : memref<!tpu.dma_semaphore, #tpu.memory_space<semaphore_mem>>)
      } else {
      }
    }
    %scan3A_24 = arith.constant 25 : i32
    return
  }
}

</mosaic_0001>

<sc_bundles>
// kernel: kernel.3.cloned.1.call-start
scs
__scs_entry_jumppad:
0x0: {  	(pc) =	sbr.rel $0x88, $3  }
0x1: {  	(tag) =	ssettag $0x0;
	lr =	simm.s32 $0x1  }
0x2: {  	[smem:$0x3F9F] =	sst lr;
	_ =	strace $0xD0000000  }
0x3: {  	_ = 	snop  }
0x4: {  	_ = 	snop  }
0x5: {  	_ = 	snop  }
0x6: {  	_ = 	snop  }
0x7: {  	_ = 	snop  }
__scs_overlays_trampoline_lowered:
0x8: {  	[smem:$0x3FAE] =	sst s0  }
0x9: {  	[smem:$0x3FAF] =	sst s1  }
0xa: {  	[smem:$0x3FB0] =	sst s2  }
0xb: {  	[smem:$0x3FB1] =	sst s3  }
0xc: {  	[smem:$0x3FB2] =	sst s4  }
0xd: {  	[smem:$0x3FB3] =	sst s5  }
0xe: {  	[smem:$0x3FB4] =	sst s6  }
0xf: {  	[smem:$0x3FB5] =	sst s7  }
0x10: {  	[smem:$0x3FB6] =	sst s8  }
0x11: {  	[smem:$0x3FB7] =	sst s9;
	s0 =	simm.s32 @!p0 $0x0  }
0x12: {  	s1 =	sld [smem:$0x3F9D];
	s0 =	simm.s32 @p0 $0x1  }
0x13: {  	[smem:$0x3FB8] =	sst s0;
	s0 =	simm.s32 @!p1 $0x0  }
0x14: {  	s2 =	sld [smem:$0x3F9C];
	s0 =	simm.s32 @p1 $0x1  }
0x15: {  	[smem:$0x3FB9] =	sst s0;
	s0 =	simm.s32 @!p2 $0x0  }
0x16: {  	s3 =	sld [smem:$0x3FDB];
	s0 =	simm.s32 @p2 $0x1  }
0x17: {  	s4 =	simm.s32 $0x1BF5;
	[smem:$0x3FBB] =	sst s0  }
0x18: {  	s0 =	sld [smem:$0x3F9E];
	_ =	swait.ge [sflag:s4], $0x0  }
0x19: {  	s7 =	sld [smem:$0x3F9F]  }
0x1a: {  	s8 =	sadd.s32 $0xFFFFE003, lr  }
0x1b: {  	s9 =	sadd.s32 $0xFFFFFEF7, lr;
	s5 =	simm.s32 $0xFFFFFFFF;
	p2 =	slt.u32 s8, $0xFFFFF086  }
0x1c: {  	p1 =	slt.u32 s9, $0xF7A;
	s5 =	simm.s32 @!p2 $0x0  }
0x1d: {  	s5 =	simm.s32 @p1 $0x1;
	p0 =	seq.s32 s7, s2  }
0x1e: {  	s7 =	smul.u32 @!p0 $0xF7A, s2;
	p2 =	seq.s32 @!p0 s5, $0x0  }
0x1f: {  	s9 =	smul.u32 $0xF7A, s1;
	s8 =	simm.s32 @!p0 $0x1BF5;
	p2 =	por !p2, p0  }
0x20: {  	[sflag:s8] =	ssyncset.s32 @!p0 $0xFFFFF086;
	s6 =	sadd.s32 @!p0 s3, s7;
	s7 =	simm.s32 @!p0 $0x108  }
0x21: {  	s3 =	sadd.s32 s3, s9;
	s6 =	sadd.s32 @!p0 $0x88, s6;
	s7 =	simm.s32 @p2 $0x1082  }
0x22: {  	[simem:s7], [sflag:s8] =	dma.local @!p0 [hbm:s6], $0xF7A  }
0x23: {  	s9 =	sor.u32 $0xD0000000, s2;
	s6 =	simm.s32 $0x108;
	_ =	swait.ge @!p0 [sflag:s8], $0x0  }
0x24: {  	s3 =	sadd.s32 $0x88, s3;
	s6 =	simm.s32 @!p1 $0x1082;
	[sflag:s4] =	ssyncset.s32 $0xFFFFF086  }
0x25: {  	[simem:s6], [sflag:s4] =	dma.local [hbm:s3], $0xF7A  }
0x26: {  	[smem:$0x3F9F] =	sst s1;
	(tag) =	ssettag s2;
	_ =	strace s9  }
0x27: {  	s1 =	sld [smem:$0x3FAF]  }
0x28: {  	s2 =	sld [smem:$0x3FB0]  }
0x29: {  	s4 =	sld [smem:$0x3FB2]  }
0x2a: {  	p0 =	seq.s32 s5, $0x0;
	s5 =	sld [smem:$0x3FB3]  }
0x2b: {  	s6 =	sld [smem:$0x3FB4]  }
0x2c: {  	s7 =	sld [smem:$0x3FB5]  }
0x2d: {  	s3 =	simm.s32 $0x108;
	s8 =	sld [smem:$0x3FB6]  }
0x2e: {  	s3 =	simm.s32 @!p0 $0x1082;
	s9 =	sld [smem:$0x3FB7]  }
0x2f: {  	lr =	sadd.s32 s0, s3;
	s0 =	sld [smem:$0x3FAE]  }
0x30: {  	s3 =	sld [smem:$0x3FB1]  }
0x31: {  	[smem:$0x3FBA] =	sst s10  }
0x32: {  	s10 =	sld [smem:$0x3FB8];
	_ =	sdelay $0x3  }
0x33: {  	p0 =	seq.s32 s10, $0x1;
	s10 =	sld [smem:$0x3FBA];
	_ =	sdelay $0x3  }
0x34: {  	[smem:$0x3FBA] =	sst s10  }
0x35: {  	s10 =	sld [smem:$0x3FB9];
	_ =	sdelay $0x3  }
0x36: {  	p1 =	seq.s32 s10, $0x1;
	s10 =	sld [smem:$0x3FBA];
	_ =	sdelay $0x3  }
0x37: {  	[smem:$0x3FBA] =	sst s10  }
0x38: {  	s10 =	sld [smem:$0x3FBB]  }
0x39: {  	_ = 	snop;
	(pc) =	sbr.ind lr, $3  }
0x3a: {  	_ = 	snop  }
0x3b: {  	_ = 	snop  }
0x3c: {  	p2 =	seq.s32 s10, $0x1;
	s10 =	sld [smem:$0x3FBA]  }
0x3d: {  	_ =	shalt  }
0x3e: {  	_ =	shalt  }
0x3f: {  	_ =	shalt  }
0x40: {  	_ =	shalt  }
0x41: {  	_ =	shalt  }
0x42: {  	_ =	shalt  }
0x43: {  	_ =	shalt  }
0x44: {  	_ =	shalt  }
0x45: {  	_ =	shalt  }
0x46: {  	_ =	shalt  }
0x47: {  	_ =	shalt  }
0x48: {  	_ =	shalt  }
0x49: {  	_ =	shalt  }
0x4a: {  	_ =	shalt  }
0x4b: {  	_ =	shalt  }
0x4c: {  	_ =	shalt  }
0x4d: {  	_ =	shalt  }
0x4e: {  	_ =	shalt  }
0x4f: {  	_ =	shalt  }
0x50: {  	_ =	shalt  }
0x51: {  	_ =	shalt  }
0x52: {  	_ =	shalt  }
0x53: {  	_ =	shalt  }
0x54: {  	_ =	shalt  }
0x55: {  	_ =	shalt  }
0x56: {  	_ =	shalt  }
0x57: {  	_ =	shalt  }
0x58: {  	_ =	shalt  }
0x59: {  	_ =	shalt  }
0x5a: {  	_ =	shalt  }
0x5b: {  	_ =	shalt  }
0x5c: {  	_ =	shalt  }
0x5d: {  	_ =	shalt  }
0x5e: {  	_ =	shalt  }
0x5f: {  	_ =	shalt  }
0x60: {  	_ =	shalt  }
0x61: {  	_ =	shalt  }
0x62: {  	_ =	shalt  }
0x63: {  	_ =	shalt  }
0x64: {  	_ =	shalt  }
0x65: {  	_ =	shalt  }
0x66: {  	_ =	shalt  }
0x67: {  	_ =	shalt  }
0x68: {  	_ =	shalt  }
0x69: {  	_ =	shalt  }
0x6a: {  	_ =	shalt  }
0x6b: {  	_ =	shalt  }
0x6c: {  	_ =	shalt  }
0x6d: {  	_ =	shalt  }
0x6e: {  	_ =	shalt  }
0x6f: {  	_ =	shalt  }
0x70: {  	_ =	shalt  }
0x71: {  	_ =	shalt  }
0x72: {  	_ =	shalt  }
0x73: {  	_ =	shalt  }
0x74: {  	_ =	shalt  }
0x75: {  	_ =	shalt  }
0x76: {  	_ =	shalt  }
0x77: {  	_ =	shalt  }
0x78: {  	_ =	shalt  }
0x79: {  	_ =	shalt  }
0x7a: {  	_ =	shalt  }
0x7b: {  	_ =	shalt  }
0x7c: {  	_ =	shalt  }
0x7d: {  	_ =	shalt  }
0x7e: {  	_ =	shalt  }
0x7f: {  	_ =	shalt  }
0x80: {  	_ =	shalt  }
0x81: {  	_ =	shalt  }
0x82: {  	_ =	shalt  }
0x83: {  	_ =	shalt  }
0x84: {  	_ =	shalt  }
0x85: {  	_ =	shalt  }
0x86: {  	_ =	shalt  }
0x87: {  	_ =	shalt  }
.Lfunc_end0:
.L_simem_size_0:
called_computation_lowered:
.L_overlay_start_0:
0x88: {  	s2 =	sld [smem:$0x3FD9]  }
0x89: {  	s3 =	sld [smem:$0x3FFE];
	_ =	sdelay $0x1  }
0x8a: {  	s1 =	srdreg.scid  }
0x8b: {  	s0 =	sand.u32 $0x1, s1  }
0x8c: {  	s17 =	sshll.u32 s0, $0xA;
	s2 =	sadd.s32 s3, s2  }
0x8d: {  	s2 =	sadd.s32 s2, s17  }
0x8e: {  	[smem:$0x3FC6] =	sst s2  }
0x8f: {  	_ = 	snop  }
0x90: {  	s2 =	sld [smem:$0x3FC8]  }
0x91: {  	s18 =	sld [smem:$0x3FD0];
	(tm) =	ssettm $0x1  }
0x92: {  	s4 =	sld [smem:$0x3FFB];
	_ =	sdelay $0x3  }
0x93: {  	_ =	strace s4  }
0x94: {  	s4 =	sld [smem:$0x3FFC];
	_ =	sdelay $0x3  }
0x95: {  	_ =	strace s4  }
0x96: {  	s4 =	sld [smem:$0x3FFD];
	_ =	sdelay $0x3  }
0x97: {  	_ =	strace s4  }
0x98: {  	_ =	strace $0x8FFFFFFF  }
0x99: {  	s19 =	sld [smem:$0x3FDB];
	_ =	sdelay $0x1  }
0x9a: {  	s5 =	simm.s32 $_scs_section_size  }
0x9b: {  	s6 =	simm.s32 $_size__tile_overlayer_lowered;
	s7 =	simm.s32 $_tile_overlayer_lowered  }
0x9c: {  	s22 =	simm.s32 $0x1BFF;
	s21 =	sshll.u32 s7, $0x1;
	s4 =	sadd.s32 s5, s19  }
0x9d: {  	s8 =	simm.s32 $0x0;
	s20 =	sshll.u32 s6, $0x1;
	s6 =	sadd.s32 s21, s4  }
0x9e: {  	[timem:s8], [sflag:s22] =	dma.local [hbm:s6], s20  }
0x9f: {  	_ =	swait.ge [sflag:s22], s20  }
0xa0: {  	s5 =	ssub.s32 $0x0, s20;
	[sflag:s22] =	ssyncset.done $0x0  }
0xa1: {  	[sflag:s22] =	ssyncadd.s32 s5;
	_ =	sdelay $0x1  }
0xa2: {  	s23 =	simm.s32 $0x1B8B  }
0xa3: {  	_ =	swait.ge [sflag:s23], $0x1  }
0xa4: {  	[sflag:s23] =	ssyncset.done $0x0  }
0xa5: {  	s25 =	simm.s32 $0x1B8E;
	s24 =	sld [smem:$0x3FFE];
	[sflag:s23] =	ssyncadd.s32 $0xFFFFFFFF  }
0xa6: {  	s26 =	simm.s32 $execute0_lowered;
	[smem:$0x3FD2] =	sst s25  }
0xa7: {  	s6 =	sshll.u32 s26, $0x1;
	_ =	strace $0x80000046;
	[dreg:$0x1] =	wrdreg $0xFFFFFFFF  }
0xa8: {  	s28 =	simm.s32 $_size_execute0_lowered;
	s4 =	sadd.s32 s4, s6;
	[dreg:$0x0] =	wrdreg $0x0  }
0xa9: {  	s6 =	sshll.u32 s28, $0x1;
	[dreg:$0x2] =	wrdreg s4  }
0xaa: {  	[dreg:$0x3] =	wrdreg s6  }
0xab: {  	[dreg:$0x4] =	wrdreg $0xC0  }
0xac: {  	_ =	task [dreg:s8], $0x5FFFF  }
0xad: {  	[dreg:$0x1] =	wrdreg $0xFFFFFFFF  }
0xae: {  	[dreg:$0x0] =	wrdreg $0x60  }
0xaf: {  	[dreg:$0x2] =	wrdreg s24  }
0xb0: {  	[dreg:$0x3] =	wrdreg s2  }
0xb1: {  	[dreg:$0x4] =	wrdreg s18  }
0xb2: {  	[dreg:$0x5] =	wrdreg $0x1C000  }
0xb3: {  	[dreg:$0x6] =	wrdreg $0x9  }
0xb4: {  	_ =	task.clear_ibuf [dreg:s8], $0x7FFFF;
	_ =	strace $0x90000046  }
0xb5: {  	s29 =	simm.s32 $0x9;
	_ =	strace $0x80000048  }
0xb6: {  	_ =	swait.ge [sflag:s29], $0x1  }
0xb7: {  	[sflag:s29] =	ssyncadd.s32 $0xFFFFFFFF  }
0xb8: {  	_ =	strace $0x90000048  }
0xb9: {  	_ =	sfence  }
0xba: {  	s30 =	sld [smem:$0x0];
	_ =	sdelay $0x2  }
0xbb: {  	s31 =	sshll.u32 s1, $0xD;
	s1 =	sshrl.u32 s1, $0x2  }
0xbc: {  	s3 =	sand.u32 $0x4000, s31;
	s1 =	sadd.s32 s1, s30  }
0xbd: {  	s0 =	sor.u32 s3, s0;
	s1 =	sshll.u32 s1, $0x11  }
0xbe: {  	s0 =	sor.u32 s1, s0  }
0xbf: {  	s0 =	sadd.s32 $0x8F2B, s0  }
0xc0: {  	[sflag:s0] =	ssyncadd.remote.s32 $0x1  }
0xc1: {  	_ =	sfence.sel $0xFFFF  }
0xc2: {  	[dreg:$0x0] =	wrdreg $0xFFFFFFFF;
	(pc) =	sbr.abs _section_cstart, $3  }
0xc3: {  	[dreg:$0x1] =	wrdreg $0xFFFFFFFF  }
0xc4: {  	_ =	task.clear_ibuf [dreg:s8], $0x2FFFF;
	_ =	strace $0x9FFFFFFF  }
0xc5: {  	(tm) =	ssettm $0x7FFFFFFF  }
tec
execute0_lowered:
.L_overlay_start_1:
0x0: {  	(tag) =	ssettag $0x1  }
0x1: {  	s4 =	rddreg [dreg:$0x0]  }
0x2: {  	s5 =	rddreg [dreg:$0x1]  }
0x3: {  	s11 =	rddreg [dreg:$0x2];
	s1 =	srdreg.scid  }
0x4: {  	s0 =	stileid.u32;
	s2 =	rddreg [dreg:$0x3]  }
0x5: {  	s3 =	simm.s32 $0x0;
	s17 =	simm.s32 $0x1;
	s18 =	simm.s32 $0x2  }
0x6: {  	s19 =	simm.s32 $0x0;
	s7 =	sand.u32 $0x1, s1;
	s14 =	smul.u32 $0x32000, s0  }
0x7: {  	s6 =	sshll.u32 s0, $0x1;
	s1 =	rddreg [dreg:$0x4];
	s16 =	smul.u32 $0x190000, s0  }
0x8: {  	[smem:$0x7FF] =	sst s3;
	s23 =	sshll.u32 s0, $0x10;
	s15 =	smul.u32 $0x19000, s7  }
0x9: {  	s24 =	sshll.u32 s0, $0xD;
	s6 =	sor.u32 s7, s6;
	s28 =	smul.u32 $0xC8000, s7  }
0xa: {  	s25 =	sshll.u32 s0, $0x6;
	_ =	strace $0x80000047;
	s8 =	smul.u32 $0x380, s6  }
0xb: {  	s9 =	ssub.s32 $0x2, s7;
	s13 =	sadd.s32 s23, s2;
	s10 =	smul.u32 $0xC8000, s6  }
0xc: {  	s22 =	sshrl.u32 s9, $0x1;
	s12 =	smul.u32 $0x19000, s6;
	s29 =	sadd.s32 s14, s11  }
0xd: {  	s9 =	ssub.s32 s9, s22;
	s14 =	sadd.s32 s15, s29;
	s30 =	sadd.s32 s28, s16  }
0xe: {  	s15 =	simm.s32 $0x11C00;
	s16 =	simm.s32 $0x15C00;
	s8 =	sadd.s32 s8, s4  }
0xf: {  	s4 =	sadd.s32 s5, s24;
	s5 =	sor.u32 $0x1C03, s25;
	s10 =	sshrl.u32 s10, $0x3  }
0x10: {  	s7 =	smax.u32 s9, $0x1;
	s12 =	sadd.s32 s12, s11;
	s31 =	sshrl.u32 s30, $0x3  }
0x11: {  	s6 =	sadd.s32 $0x400, s8;
	s26 =	sadd.s32 s11, s10;
	s9 =	sadd.s32 $0x18800, s12  }
0x12: {  	s10 =	sadd.s32 $0x800, s14;
	s11 =	sadd.s32 s31, s11;
	s12 =	sshrl.u32 s13, $0x3  }
0x13: {  	s13 =	simm.s32 $0x3;
	s14 =	simm.s32 $0x80;
	s8 =	sadd.s32 $0x18000, s26  }
.LBB2_1:
0x14: {  	[spmem:s12], [sflag:s5] =	dma.local [hbm:s4], $0x2000  }
0x15: {  	_ =	swait.ge [sflag:s13], $0x2000  }
0x16: {  	[sflag:s13] =	ssyncset.done $0x0  }
0x17: {  	[sflag:s13] =	ssyncadd.s32 $0xFFFFE000  }
0x18: {  	[tilespmem:s3], [sflag:$0x3] =	stream.linear.gather [hbm4b:s6+s3], $0x1900, $0x38;
	[tilespmem:$0x19C00] =	vst v63  }
0x19: {  	_ =	swait.ge [sflag:s13], $0x1900  }
0x1a: {  	[sflag:s13] =	ssyncset.done $0x0  }
0x1b: {  	[sflag:s13] =	ssyncadd.s32 $0xFFFFE700  }
0x1c: {  	[bflag:$0x0] =	sbarrier.arrive $0xFFFF  }
0x1d: {  	[tilespmem:s15], [sflag:$0x1] =	stream.indirect.gather [spmem:s2], $0x80, s3, s14, $0xb8;
	[tilespmem:$0x19C00] =	vst v63  }
0x1e: {  	_ = 	snop  }
0x1f: {  	[tilespmem:s16], [sflag:$0x2] =	stream.indirect.gather [spmem:s2], $0x80, s14, s14, $0xb8;
	[tilespmem:$0x19C00] =	vst v63  }
0x20: {  	_ =	swait.ge [sflag:s17], $0x4000  }
0x21: {  	[sflag:s17] =	ssyncset.done $0x0  }
0x22: {  	s20 =	sadd.s32 $0x0, s11;
	[sflag:s17] =	ssyncadd.s32 $0xFFFFC000  }
0x23: {  	[hbm4b:s20+s3] =	stream.linear.scatter [tilespmem:s15], [sflag:$0x3], $0x4000, $0x38;
	[tilespmem:$0x19C00] =	vst v63  }
0x24: {  	_ =	swait.ge [sflag:s13], $0x4000  }
0x25: {  	[sflag:s13] =	ssyncset.done $0x0  }
0x26: {  	s30 =	simm.s32 $0x100;
	[sflag:s13] =	ssyncadd.s32 $0xFFFFC000  }
0x27: {  	[tilespmem:s15], [sflag:$0x1] =	stream.indirect.gather [spmem:s2], $0x80, s30, s14, $0xb8;
	[tilespmem:$0x19C00] =	vst v63  }
0x28: {  	_ =	swait.ge [sflag:s18], $0x4000  }
0x29: {  	[sflag:s18] =	ssyncset.done $0x0  }
0x2a: {  	s31 =	sadd.s32 $0x0, s10;
	[sflag:s18] =	ssyncadd.s32 $0xFFFFC000  }
0x2b: {  	[hbm4b:s31+s3] =	stream.linear.scatter [tilespmem:s16], [sflag:$0x3], $0x4000, $0x38;
	[tilespmem:$0x19C00] =	vst v63  }
0x2c: {  	_ =	swait.ge [sflag:s13], $0x4000  }
0x2d: {  	s21 =	simm.s32 $0x1000;
	[sflag:s13] =	ssyncset.done $0x0  }
0x2e: {  	s22 =	simm.s32 $0x280;
	s20 =	simm.s32 $0x180;
	[sflag:s13] =	ssyncadd.s32 $0xFFFFC000  }
.LBB2_2:
0x2f: {  	[tilespmem:s16], [sflag:$0x2] =	stream.indirect.gather [spmem:s2], $0x80, s20, s14, $0xb8;
	[tilespmem:$0x19C00] =	vst v63  }
0x30: {  	s23 =	smov.u32 s21;
	s20 =	smov.u32 s22  }
0x31: {  	p0 =	sne.s32 s21, $0x17000;
	s21 =	sadd.s32 $0x1000, s21;
	_ =	swait.ge [sflag:s17], $0x4000  }
0x32: {  	[sflag:s17] =	ssyncset.done $0x0  }
0x33: {  	s24 =	sadd.s32 s23, s11;
	[sflag:s17] =	ssyncadd.s32 $0xFFFFC000  }
0x34: {  	[hbm4b:s24+s3] =	stream.linear.scatter [tilespmem:s15], [sflag:$0x3], $0x4000, $0x38;
	[tilespmem:$0x19C00] =	vst v63  }
0x35: {  	_ =	swait.ge [sflag:s13], $0x4000  }
0x36: {  	[sflag:s13] =	ssyncset.done $0x0  }
0x37: {  	s24 =	sadd.s32 $0xFFFFFF80, s22;
	[sflag:s13] =	ssyncadd.s32 $0xFFFFC000  }
0x38: {  	[tilespmem:s15], [sflag:$0x1] =	stream.indirect.gather [spmem:s2], $0x80, s24, s14, $0xb8;
	[tilespmem:$0x19C00] =	vst v63  }
0x39: {  	_ =	swait.ge [sflag:s18], $0x4000  }
0x3a: {  	[sflag:s18] =	ssyncset.done $0x0  }
.Ltmp0:
0x3b: {  	s23 =	sadd.s32 s23, s10;
	[sflag:s18] =	ssyncadd.s32 $0xFFFFC000;
	(pc) =	sbr.rel @p0 .LBB2_2-.Ltmp0, $4  }
0x3c: {  	[hbm4b:s23+s3] =	stream.linear.scatter [tilespmem:s16], [sflag:$0x3], $0x4000, $0x38;
	[tilespmem:$0x19C00] =	vst v63  }
0x3d: {  	_ =	swait.ge [sflag:s13], $0x4000  }
0x3e: {  	[sflag:s13] =	ssyncset.done $0x0  }
0x3f: {  	s22 =	sadd.s32 $0x100, s22;
	[sflag:s13] =	ssyncadd.s32 $0xFFFFC000  }
0x40: {  	[tilespmem:s16], [sflag:$0x2] =	stream.indirect.gather [spmem:s2], $0x80, s20, s14, $0xb8;
	[tilespmem:$0x19C00] =	vst v63  }
0x41: {  	_ =	swait.ge [sflag:s17], $0x4000  }
0x42: {  	[sflag:s17] =	ssyncset.done $0x0  }
0x43: {  	[sflag:s17] =	ssyncadd.s32 $0xFFFFC000  }
0x44: {  	[hbm4b:s8+s3] =	stream.linear.scatter [tilespmem:s15], [sflag:$0x3], $0x4000, $0x38;
	[tilespmem:$0x19C00] =	vst v63  }
0x45: {  	_ =	swait.ge [sflag:s13], $0x4000  }
0x46: {  	[sflag:s13] =	ssyncset.done $0x0  }
0x47: {  	[sflag:s13] =	ssyncadd.s32 $0xFFFFC000  }
0x48: {  	s19 =	sadd.s32 $0x1, s19;
	_ =	swait.ge [sflag:s18], $0x4000  }
0x49: {  	p0 =	sne.s32 s19, s7;
	[sflag:s18] =	ssyncset.done $0x0  }
.Ltmp1:
0x4a: {  	[sflag:s18] =	ssyncadd.s32 $0xFFFFC000;
	(pc) =	sbr.rel @p0 .LBB2_1-.Ltmp1, $4  }
0x4b: {  	[hbm4b:s9+s3] =	stream.linear.scatter [tilespmem:s16], [sflag:$0x3], $0x4000, $0x38;
	[tilespmem:$0x19C00] =	vst v63  }
0x4c: {  	_ =	swait.ge [sflag:s13], $0x4000  }
0x4d: {  	[sflag:s13] =	ssyncset.done $0x0  }
0x4e: {  	[sflag:s13] =	ssyncadd.s32 $0xFFFFC000  }
0x4f: {  	_ =	sfence.sel $0x180000  }
0x50: {  	[bflag:$0x0] =	sbarrier.arrive $0xFFFF  }
0x51: {  	p0 =	sne.s32 s0, $0x0;
	_ =	strace $0x90000047  }
0x52: {  	s0 =	sadd.s32 @!p0 $0x100000, s1;
	[bflag:$0x2] =	sbarrier.arrive $0xFFFF  }
0x53: {  	[sflag:s0] =	ssyncadd.tile.s32 @!p0 $0x1;
	_ =	shalt  }
.Lfunc_end2:
_tile_overlayer_lowered:
.L_overlay_start_2:
0x54: {  	(tag) =	ssettag $0x2  }
0x55: {  	s0 =	rddreg [dreg:$0x0];
	s2 =	stileid.u32  }
0x56: {  	s1 =	rddreg [dreg:$0x1];
	p0 =	sne.s32 s2, $0x0  }
0x57: {  	s3 =	rddreg [dreg:$0x2];
	[bflag:$0x3] =	sbarrier.arrive $0xFFFF;
	s2 =	simm.s32 @!p0 $0x1C03  }
0x58: {  	[timem:s3], [sflag:s2] =	dma.local @!p0 [hbm:s0], s1  }
0x59: {  	s0 =	simm.s32 @!p0 $0x3  }
0x5a: {  	_ =	swait.ge @!p0 [sflag:s0], s1  }
0x5b: {  	s1 =	ssub.s32 @!p0 $0x0, s1;
	[sflag:s0] =	ssyncset.done @!p0 $0x0  }
0x5c: {  	[sflag:s0] =	ssyncadd.s32 @!p0 s1  }
0x5d: {  	[bflag:$0x3] =	sbarrier.arrive $0xFFFF  }
0x5e: {  	_ =	shalt  }

</sc_bundles>
